<compile_context>
chip_gen: v7x
topology: tpu7x:2x2x1
jax: 0.10.2.dev20260603
libtpu: 0.0.44.dev20260713+nightly
codegen_flags: <defaults>
</compile_context>

<pallas_src>
import functools

import jax
import jax.numpy as jnp
from jax import lax
from jax.experimental import pallas as pl
from jax.experimental.pallas import tpu as pltpu
from jax.experimental.pallas import tpu_sc as plsc

VOCAB = 128512
D = 4096
NC = 2
NS = 16
NW = NC * NS
C = 8
NBUF = 2


@functools.partial(jax.jit, static_argnames=("nch",))
def _embed_sc(tokens_w, table, *, nch):

    mesh = plsc.VectorSubcoreMesh(core_axis_name="c", subcore_axis_name="s")

    @functools.partial(
        pl.kernel,
        mesh=mesh,
        out_type=jax.ShapeDtypeStruct((NW, nch, C, D), jnp.float32),
        scratch_types=[
            pltpu.VMEM((nch, C), jnp.int32),
            pltpu.VMEM((NBUF, C, D), jnp.float32),
            pltpu.SemaphoreType.DMA((NBUF,)),
            pltpu.SemaphoreType.DMA((NBUF,)),
        ],
    )
    def body(tok_hbm, table_hbm, out_hbm, idx_v, rows_v, gsem, wsem):
        wid = lax.axis_index("s") * NC + lax.axis_index("c")

        pltpu.sync_copy(tok_hbm.at[wid], idx_v)

        def start_gather(g, b):
            pltpu.async_copy(table_hbm.at[idx_v.at[g]], rows_v.at[b],
                             gsem.at[b])

        def wait_gather(b):
            pltpu.make_async_copy(table_hbm.at[idx_v.at[0]], rows_v.at[b],
                                  gsem.at[b]).wait()

        def start_write(g, b):
            pltpu.async_copy(rows_v.at[b], out_hbm.at[wid, g], wsem.at[b])

        def wait_write(b):
            pltpu.make_async_copy(rows_v.at[b], out_hbm.at[wid, 0],
                                  wsem.at[b]).wait()

        for b in range(NBUF):
            start_gather(b, b)

        @pl.loop(0, nch, step=NBUF)
        def _(g0):
            for b in range(NBUF):
                g = g0 + b
                wait_gather(b)
                start_write(g, b)
                nxt = g + NBUF

                @pl.when(nxt < nch)
                def _():
                    wait_write(b)
                    start_gather(nxt, b)

        for b in range(NBUF):
            wait_write(b)

    return body(tokens_w, table)


def kernel(tokens, table):
    b, s = tokens.shape
    total = b * s
    nch = total // (NW * C)
    tokens_w = tokens.reshape(NW, nch, C).astype(jnp.int32)
    out = _embed_sc(tokens_w, table, nch=nch)
    return out.reshape(b, s, D)

# --- scband reference (transcript-rebuilt; emitter-appended) ---
"""Pipeline reference for scband-token-embedding-15410342658601 (READ-ONLY COPY).

The authoritative reference and input builder live on the scoring server;
editing this copy changes nothing except your own understanding.
"""

import jax, jax.numpy as jnp
import numpy as np

VOCAB_SIZE = 128512
EMBED_DIM = 4096
PADDING_IDX = 0

def setup_inputs(seed: int = 0) -> dict:
    key = jax.random.key(seed)
    k_tok, k_tab = jax.random.split(key)
    tokens = jax.random.randint(k_tok, (2, 4096), 0, VOCAB_SIZE, dtype=jnp.int64 if jax.config.jax_enable_x64 else jnp.int32)
    table = jax.random.normal(k_tab, (VOCAB_SIZE, EMBED_DIM), dtype=jnp.float32) * 0.02
    # padding_idx row is zeroed, matching torch.nn.Embedding(padding_idx=...)
    table = table.at[PADDING_IDX].set(0.0)
    return {"tokens": tokens, "table": table}

def reference(tokens, table):
    # torch.nn.Embedding forward: gather rows of the weight table
    # tokens: [B, S] int -> out: [B, S, D]
    return jnp.take(table, tokens, axis=0)

if __name__ == "__main__":
    import jax
    _d = setup_inputs()
    print(jax.jit(kernel)(*tuple(_d.values())))

</pallas_src>

<mosaic_0001>
#map = affine_map<(d0, d1) -> (0, 0, 0)>
#map1 = affine_map<(d0, d1) -> (0, 0)>
#map2 = affine_map<(d0, d1) -> (0, 0, 0, 0)>
module attributes {stable_mosaic.version = 14 : i64} {
  func.func @body(%arg0: i32, %arg1: i32, %arg2: memref<32x32x8xi32, #tpu.memory_space<hbm>>, %arg3: memref<128512x4096xf32, #tpu.memory_space<hbm>>, %arg4: memref<32x32x8x4096xf32, #tpu.memory_space<hbm>>, %arg5: memref<32x8xi32, #tpu.memory_space<vmem>>, %arg6: memref<2x8x4096xf32, #tpu.memory_space<vmem>>, %arg7: memref<2x!tpu.dma_semaphore, #tpu.memory_space<semaphore_mem>>, %arg8: memref<2x!tpu.dma_semaphore, #tpu.memory_space<semaphore_mem>>) attributes {dimension_semantics = [#tpu.dimension_semantics<core_parallel>, #tpu.dimension_semantics<subcore_parallel>], iteration_bounds = array<i64: 2, 16>, scalar_prefetch = 0 : i64, scratch_operands = 4 : i64, tpu.core_type = #tpu.core_type<sc_vector_subcore>, window_params = [{transform_indices = #map}, {transform_indices = #map1}, {transform_indices = #map2}]} {
    %mul3A = arith.constant 2 : i32
    %mul3A_0 = arith.muli %arg1, %mul3A : i32
    %add3A = arith.addi %mul3A_0, %arg0 : i32
    "tpu.region"() ({
      %run_scoped3A = tpu.sem_alloc : memref<!tpu.dma_semaphore, #tpu.memory_space<semaphore_mem>>
      %dma_start3A_75 = arith.constant 0 : i32
      %dma_start3A_76 = arith.constant 0 : i32
      %dma_start3A_77 = tpu.memref_slice %arg2[%add3A, %dma_start3A_75, %dma_start3A_76] : memref<32x32x8xi32, #tpu.memory_space<hbm>> -> memref<1x32x8xi32, #tpu.memory_space<hbm>>
      %dma_start3A_78 = tpu.memref_squeeze %dma_start3A_77 : memref<1x32x8xi32, #tpu.memory_space<hbm>> -> memref<32x8xi32, #tpu.memory_space<hbm>>
      %dma_start3A_79 = arith.constant 0 : i32
      %dma_start3A_80 = arith.constant 0 : i32
      %dma_start3A_81 = tpu.memref_slice %arg2[%add3A, %dma_start3A_79, %dma_start3A_80] : memref<32x32x8xi32, #tpu.memory_space<hbm>> -> memref<1x32x8xi32, #tpu.memory_space<hbm>>
      %dma_start3A_82 = tpu.memref_squeeze %dma_start3A_81 : memref<1x32x8xi32, #tpu.memory_space<hbm>> -> memref<32x8xi32, #tpu.memory_space<hbm>>
      tpu.enqueue_dma source(%dma_start3A_82 : memref<32x8xi32, #tpu.memory_space<hbm>>) target(%arg5 : memref<32x8xi32, #tpu.memory_space<vmem>>) target_semaphore(%run_scoped3A : memref<!tpu.dma_semaphore, #tpu.memory_space<semaphore_mem>>)
      %dma_wait3A_83 = arith.constant 0 : i32
      %dma_wait3A_84 = arith.constant 0 : i32
      %dma_wait3A_85 = tpu.memref_slice %arg2[%add3A, %dma_wait3A_83, %dma_wait3A_84] : memref<32x32x8xi32, #tpu.memory_space<hbm>> -> memref<1x32x8xi32, #tpu.memory_space<hbm>>
      %dma_wait3A_86 = tpu.memref_squeeze %dma_wait3A_85 : memref<1x32x8xi32, #tpu.memory_space<hbm>> -> memref<32x8xi32, #tpu.memory_space<hbm>>
      %dma_wait3A_87 = arith.constant 0 : i32
      %dma_wait3A_88 = arith.constant 0 : i32
      %dma_wait3A_89 = tpu.memref_slice %arg2[%add3A, %dma_wait3A_87, %dma_wait3A_88] : memref<32x32x8xi32, #tpu.memory_space<hbm>> -> memref<1x32x8xi32, #tpu.memory_space<hbm>>
      %dma_wait3A_90 = tpu.memref_squeeze %dma_wait3A_89 : memref<1x32x8xi32, #tpu.memory_space<hbm>> -> memref<32x8xi32, #tpu.memory_space<hbm>>
      tpu.wait_dma2 semaphore(%run_scoped3A : memref<!tpu.dma_semaphore, #tpu.memory_space<semaphore_mem>>) src(%dma_wait3A_90 : memref<32x8xi32, #tpu.memory_space<hbm>>) dst(%arg5 : memref<32x8xi32, #tpu.memory_space<vmem>>)
      tpu.yield
    }) : () -> ()
    %dma_start3A = arith.constant 0 : i32
    %dma_start3A_1 = arith.constant 0 : i32
    %dma_start3A_2 = arith.constant 0 : i32
    %dma_start3A_3 = arith.constant 0 : i32
    %dma_start3A_4 = arith.constant 0 : i32
    %dma_start3A_5 = tpu.memref_slice %arg6[%dma_start3A_1, %dma_start3A_3, %dma_start3A_4] : memref<2x8x4096xf32, #tpu.memory_space<vmem>> -> memref<1x8x4096xf32, #tpu.memory_space<vmem>>
    %dma_start3A_6 = tpu.memref_squeeze %dma_start3A_5 : memref<1x8x4096xf32, #tpu.memory_space<vmem>> -> memref<8x4096xf32, #tpu.memory_space<vmem>>
    %dma_start3A_7 = arith.constant 0 : i32
    %dma_start3A_8 = tpu.memref_slice %arg5[%dma_start3A, %dma_start3A_7] : memref<32x8xi32, #tpu.memory_space<vmem>> -> memref<1x8xi32, #tpu.memory_space<vmem>>
    %dma_start3A_9 = tpu.memref_squeeze %dma_start3A_8 : memref<1x8xi32, #tpu.memory_space<vmem>> -> memref<8xi32, #tpu.memory_space<vmem>>
    %dma_start3A_10 = arith.constant 0 : i32
    %dma_start3A_11 = arith.constant 0 : i32
    %dma_start3A_12 = tpu.memref_slice %arg3[%dma_start3A_10, %dma_start3A_11] : memref<128512x4096xf32, #tpu.memory_space<hbm>> -> memref<128512x4096xf32, #tpu.memory_space<hbm>>
    %dma_start3A_13 = tpu.memref_slice %arg7[%dma_start3A_2] : memref<2x!tpu.dma_semaphore, #tpu.memory_space<semaphore_mem>> -> memref<1x!tpu.dma_semaphore, #tpu.memory_space<semaphore_mem>>
    %dma_start3A_14 = tpu.memref_squeeze %dma_start3A_13 : memref<1x!tpu.dma_semaphore, #tpu.memory_space<semaphore_mem>> -> memref<!tpu.dma_semaphore, #tpu.memory_space<semaphore_mem>>
    tpu.enqueue_indirect_dma source(%dma_start3A_12 : memref<128512x4096xf32, #tpu.memory_space<hbm>>) target(%dma_start3A_6 : memref<8x4096xf32, #tpu.memory_space<vmem>>) offsets(%dma_start3A_9 : memref<8xi32, #tpu.memory_space<vmem>>) semaphore(%dma_start3A_14 : memref<!tpu.dma_semaphore, #tpu.memory_space<semaphore_mem>>)
    %dma_start3A_15 = arith.constant 1 : i32
    %dma_start3A_16 = arith.constant 1 : i32
    %dma_start3A_17 = arith.constant 1 : i32
    %dma_start3A_18 = arith.constant 0 : i32
    %dma_start3A_19 = arith.constant 0 : i32
    %dma_start3A_20 = tpu.memref_slice %arg6[%dma_start3A_16, %dma_start3A_18, %dma_start3A_19] : memref<2x8x4096xf32, #tpu.memory_space<vmem>> -> memref<1x8x4096xf32, #tpu.memory_space<vmem>>
    %dma_start3A_21 = tpu.memref_squeeze %dma_start3A_20 : memref<1x8x4096xf32, #tpu.memory_space<vmem>> -> memref<8x4096xf32, #tpu.memory_space<vmem>>
    %dma_start3A_22 = arith.constant 0 : i32
    %dma_start3A_23 = tpu.memref_slice %arg5[%dma_start3A_15, %dma_start3A_22] : memref<32x8xi32, #tpu.memory_space<vmem>> -> memref<1x8xi32, #tpu.memory_space<vmem>>
    %dma_start3A_24 = tpu.memref_squeeze %dma_start3A_23 : memref<1x8xi32, #tpu.memory_space<vmem>> -> memref<8xi32, #tpu.memory_space<vmem>>
    %dma_start3A_25 = arith.constant 0 : i32
    %dma_start3A_26 = arith.constant 0 : i32
    %dma_start3A_27 = tpu.memref_slice %arg3[%dma_start3A_25, %dma_start3A_26] : memref<128512x4096xf32, #tpu.memory_space<hbm>> -> memref<128512x4096xf32, #tpu.memory_space<hbm>>
    %dma_start3A_28 = tpu.memref_slice %arg7[%dma_start3A_17] : memref<2x!tpu.dma_semaphore, #tpu.memory_space<semaphore_mem>> -> memref<1x!tpu.dma_semaphore, #tpu.memory_space<semaphore_mem>>
    %dma_start3A_29 = tpu.memref_squeeze %dma_start3A_28 : memref<1x!tpu.dma_semaphore, #tpu.memory_space<semaphore_mem>> -> memref<!tpu.dma_semaphore, #tpu.memory_space<semaphore_mem>>
    tpu.enqueue_indirect_dma source(%dma_start3A_27 : memref<128512x4096xf32, #tpu.memory_space<hbm>>) target(%dma_start3A_21 : memref<8x4096xf32, #tpu.memory_space<vmem>>) offsets(%dma_start3A_24 : memref<8xi32, #tpu.memory_space<vmem>>) semaphore(%dma_start3A_29 : memref<!tpu.dma_semaphore, #tpu.memory_space<semaphore_mem>>)
    %scan3A = arith.constant 0 : i32
    %scan3A_30 = arith.constant 16 : i32
    %scan3A_31 = arith.addi %scan3A, %scan3A_30 : i32
    %scan3A_32 = arith.constant 1 : i32
    scf.for %scan3A_75 = %scan3A to %scan3A_31 step %scan3A_32  : i32 {
      %mul3A_76 = arith.constant 2 : i32
      %mul3A_77 = arith.muli %scan3A_75, %mul3A_76 : i32
      %add3A_78 = arith.constant 0 : i32
      %add3A_79 = arith.addi %add3A_78, %mul3A_77 : i32
      %add3A_80 = arith.constant 0 : i32
      %add3A_81 = arith.addi %add3A_79, %add3A_80 : i32
      %dma_wait3A_82 = arith.constant 0 : i32
      %dma_wait3A_83 = arith.constant 0 : i32
      %dma_wait3A_84 = arith.constant 0 : i32
      %dma_wait3A_85 = arith.constant 0 : i32
      %dma_wait3A_86 = arith.constant 0 : i32
      %dma_wait3A_87 = tpu.memref_slice %arg6[%dma_wait3A_83, %dma_wait3A_85, %dma_wait3A_86] : memref<2x8x4096xf32, #tpu.memory_space<vmem>> -> memref<1x8x4096xf32, #tpu.memory_space<vmem>>
      %dma_wait3A_88 = tpu.memref_squeeze %dma_wait3A_87 : memref<1x8x4096xf32, #tpu.memory_space<vmem>> -> memref<8x4096xf32, #tpu.memory_space<vmem>>
      %dma_wait3A_89 = arith.constant 0 : i32
      %dma_wait3A_90 = tpu.memref_slice %arg5[%dma_wait3A_82, %dma_wait3A_89] : memref<32x8xi32, #tpu.memory_space<vmem>> -> memref<1x8xi32, #tpu.memory_space<vmem>>
      %dma_wait3A_91 = tpu.memref_squeeze %dma_wait3A_90 : memref<1x8xi32, #tpu.memory_space<vmem>> -> memref<8xi32, #tpu.memory_space<vmem>>
      %dma_wait3A_92 = arith.constant 0 : i32
      %dma_wait3A_93 = arith.constant 0 : i32
      %dma_wait3A_94 = tpu.memref_slice %arg3[%dma_wait3A_92, %dma_wait3A_93] : memref<128512x4096xf32, #tpu.memory_space<hbm>> -> memref<128512x4096xf32, #tpu.memory_space<hbm>>
      %dma_wait3A_95 = tpu.memref_slice %arg7[%dma_wait3A_84] : memref<2x!tpu.dma_semaphore, #tpu.memory_space<semaphore_mem>> -> memref<1x!tpu.dma_semaphore, #tpu.memory_space<semaphore_mem>>
      %dma_wait3A_96 = tpu.memref_squeeze %dma_wait3A_95 : memref<1x!tpu.dma_semaphore, #tpu.memory_space<semaphore_mem>> -> memref<!tpu.dma_semaphore, #tpu.memory_space<semaphore_mem>>
      tpu.wait_indirect_dma semaphore(%dma_wait3A_96 : memref<!tpu.dma_semaphore, #tpu.memory_space<semaphore_mem>>) src(%dma_wait3A_94 : memref<128512x4096xf32, #tpu.memory_space<hbm>>) dst(%dma_wait3A_88 : memref<8x4096xf32, #tpu.memory_space<vmem>>)
      %dma_start3A_97 = arith.constant 0 : i32
      %dma_start3A_98 = arith.constant 0 : i32
      %dma_start3A_99 = arith.constant 0 : i32
      %dma_start3A_100 = arith.constant 0 : i32
      %dma_start3A_101 = tpu.memref_slice %arg6[%dma_start3A_97, %dma_start3A_99, %dma_start3A_100] : memref<2x8x4096xf32, #tpu.memory_space<vmem>> -> memref<1x8x4096xf32, #tpu.memory_space<vmem>>
      %dma_start3A_102 = tpu.memref_squeeze %dma_start3A_101 : memref<1x8x4096xf32, #tpu.memory_space<vmem>> -> memref<8x4096xf32, #tpu.memory_space<vmem>>
      %dma_start3A_103 = arith.constant 0 : i32
      %dma_start3A_104 = arith.constant 0 : i32
      %dma_start3A_105 = tpu.memref_slice %arg4[%add3A, %add3A_81, %dma_start3A_103, %dma_start3A_104] : memref<32x32x8x4096xf32, #tpu.memory_space<hbm>> -> memref<1x1x8x4096xf32, #tpu.memory_space<hbm>>
      %dma_start3A_106 = tpu.memref_squeeze %dma_start3A_105 : memref<1x1x8x4096xf32, #tpu.memory_space<hbm>> -> memref<8x4096xf32, #tpu.memory_space<hbm>>
      %dma_start3A_107 = tpu.memref_slice %arg8[%dma_start3A_98] : memref<2x!tpu.dma_semaphore, #tpu.memory_space<semaphore_mem>> -> memref<1x!tpu.dma_semaphore, #tpu.memory_space<semaphore_mem>>
      %dma_start3A_108 = tpu.memref_squeeze %dma_start3A_107 : memref<1x!tpu.dma_semaphore, #tpu.memory_space<semaphore_mem>> -> memref<!tpu.dma_semaphore, #tpu.memory_space<semaphore_mem>>
      %dma_start3A_109 = arith.constant 0 : i32
      %dma_start3A_110 = arith.constant 0 : i32
      %dma_start3A_111 = tpu.memref_slice %arg4[%add3A, %add3A_81, %dma_start3A_109, %dma_start3A_110] : memref<32x32x8x4096xf32, #tpu.memory_space<hbm>> -> memref<1x1x8x4096xf32, #tpu.memory_space<hbm>>
      %dma_start3A_112 = tpu.memref_squeeze %dma_start3A_111 : memref<1x1x8x4096xf32, #tpu.memory_space<hbm>> -> memref<8x4096xf32, #tpu.memory_space<hbm>>
      %dma_start3A_113 = arith.constant 0 : i32
      %dma_start3A_114 = arith.constant 0 : i32
      %dma_start3A_115 = tpu.memref_slice %arg6[%dma_start3A_97, %dma_start3A_113, %dma_start3A_114] : memref<2x8x4096xf32, #tpu.memory_space<vmem>> -> memref<1x8x4096xf32, #tpu.memory_space<vmem>>
      %dma_start3A_116 = tpu.memref_squeeze %dma_start3A_115 : memref<1x8x4096xf32, #tpu.memory_space<vmem>> -> memref<8x4096xf32, #tpu.memory_space<vmem>>
      tpu.enqueue_dma source(%dma_start3A_116 : memref<8x4096xf32, #tpu.memory_space<vmem>>) target(%dma_start3A_112 : memref<8x4096xf32, #tpu.memory_space<hbm>>) target_semaphore(%dma_start3A_108 : memref<!tpu.dma_semaphore, #tpu.memory_space<semaphore_mem>>)
      %add3A_117 = arith.constant 2 : i32
      %add3A_118 = arith.addi %add3A_81, %add3A_117 : i32
      %lt3A = arith.constant 32 : i32
      %lt3A_119 = arith.cmpi slt, %add3A_118, %lt3A : i32
      %convert_element_type3A = arith.extui %lt3A_119 : i1 to i32
      %cond3A = arith.constant 0 : i32
      %cond3A_120 = arith.cmpi ne, %convert_element_type3A, %cond3A : i32
      scf.if %cond3A_120 {
        %dma_wait3A_165 = arith.constant 0 : i32
        %dma_wait3A_166 = arith.constant 0 : i32
        %dma_wait3A_167 = arith.constant 0 : i32
        %dma_wait3A_168 = arith.constant 0 : i32
        %dma_wait3A_169 = arith.constant 0 : i32
        %dma_wait3A_170 = tpu.memref_slice %arg6[%dma_wait3A_165, %dma_wait3A_168, %dma_wait3A_169] : memref<2x8x4096xf32, #tpu.memory_space<vmem>> -> memref<1x8x4096xf32, #tpu.memory_space<vmem>>
        %dma_wait3A_171 = tpu.memref_squeeze %dma_wait3A_170 : memref<1x8x4096xf32, #tpu.memory_space<vmem>> -> memref<8x4096xf32, #tpu.memory_space<vmem>>
        %dma_wait3A_172 = arith.constant 0 : i32
        %dma_wait3A_173 = arith.constant 0 : i32
        %dma_wait3A_174 = tpu.memref_slice %arg4[%add3A, %dma_wait3A_166, %dma_wait3A_172, %dma_wait3A_173] : memref<32x32x8x4096xf32, #tpu.memory_space<hbm>> -> memref<1x1x8x4096xf32, #tpu.memory_space<hbm>>
        %dma_wait3A_175 = tpu.memref_squeeze %dma_wait3A_174 : memref<1x1x8x4096xf32, #tpu.memory_space<hbm>> -> memref<8x4096xf32, #tpu.memory_space<hbm>>
        %dma_wait3A_176 = tpu.memref_slice %arg8[%dma_wait3A_167] : memref<2x!tpu.dma_semaphore, #tpu.memory_space<semaphore_mem>> -> memref<1x!tpu.dma_semaphore, #tpu.memory_space<semaphore_mem>>
        %dma_wait3A_177 = tpu.memref_squeeze %dma_wait3A_176 : memref<1x!tpu.dma_semaphore, #tpu.memory_space<semaphore_mem>> -> memref<!tpu.dma_semaphore, #tpu.memory_space<semaphore_mem>>
        %dma_wait3A_178 = arith.constant 0 : i32
        %dma_wait3A_179 = arith.constant 0 : i32
        %dma_wait3A_180 = tpu.memref_slice %arg4[%add3A, %dma_wait3A_166, %dma_wait3A_178, %dma_wait3A_179] : memref<32x32x8x4096xf32, #tpu.memory_space<hbm>> -> memref<1x1x8x4096xf32, #tpu.memory_space<hbm>>
        %dma_wait3A_181 = tpu.memref_squeeze %dma_wait3A_180 : memref<1x1x8x4096xf32, #tpu.memory_space<hbm>> -> memref<8x4096xf32, #tpu.memory_space<hbm>>
        %dma_wait3A_182 = arith.constant 0 : i32
        %dma_wait3A_183 = arith.constant 0 : i32
        %dma_wait3A_184 = tpu.memref_slice %arg6[%dma_wait3A_165, %dma_wait3A_182, %dma_wait3A_183] : memref<2x8x4096xf32, #tpu.memory_space<vmem>> -> memref<1x8x4096xf32, #tpu.memory_space<vmem>>
        %dma_wait3A_185 = tpu.memref_squeeze %dma_wait3A_184 : memref<1x8x4096xf32, #tpu.memory_space<vmem>> -> memref<8x4096xf32, #tpu.memory_space<vmem>>
        tpu.wait_dma2 semaphore(%dma_wait3A_177 : memref<!tpu.dma_semaphore, #tpu.memory_space<semaphore_mem>>) src(%dma_wait3A_185 : memref<8x4096xf32, #tpu.memory_space<vmem>>) dst(%dma_wait3A_181 : memref<8x4096xf32, #tpu.memory_space<hbm>>)
        %dma_start3A_186 = arith.constant 0 : i32
        %dma_start3A_187 = arith.constant 0 : i32
        %dma_start3A_188 = arith.constant 0 : i32
        %dma_start3A_189 = arith.constant 0 : i32
        %dma_start3A_190 = tpu.memref_slice %arg6[%dma_start3A_186, %dma_start3A_188, %dma_start3A_189] : memref<2x8x4096xf32, #tpu.memory_space<vmem>> -> memref<1x8x4096xf32, #tpu.memory_space<vmem>>
        %dma_start3A_191 = tpu.memref_squeeze %dma_start3A_190 : memref<1x8x4096xf32, #tpu.memory_space<vmem>> -> memref<8x4096xf32, #tpu.memory_space<vmem>>
        %dma_start3A_192 = arith.constant 0 : i32
        %dma_start3A_193 = tpu.memref_slice %arg5[%add3A_118, %dma_start3A_192] : memref<32x8xi32, #tpu.memory_space<vmem>> -> memref<1x8xi32, #tpu.memory_space<vmem>>
        %dma_start3A_194 = tpu.memref_squeeze %dma_start3A_193 : memref<1x8xi32, #tpu.memory_space<vmem>> -> memref<8xi32, #tpu.memory_space<vmem>>
        %dma_start3A_195 = arith.constant 0 : i32
        %dma_start3A_196 = arith.constant 0 : i32
        %dma_start3A_197 = tpu.memref_slice %arg3[%dma_start3A_195, %dma_start3A_196] : memref<128512x4096xf32, #tpu.memory_space<hbm>> -> memref<128512x4096xf32, #tpu.memory_space<hbm>>
        %dma_start3A_198 = tpu.memref_slice %arg7[%dma_start3A_187] : memref<2x!tpu.dma_semaphore, #tpu.memory_space<semaphore_mem>> -> memref<1x!tpu.dma_semaphore, #tpu.memory_space<semaphore_mem>>
        %dma_start3A_199 = tpu.memref_squeeze %dma_start3A_198 : memref<1x!tpu.dma_semaphore, #tpu.memory_space<semaphore_mem>> -> memref<!tpu.dma_semaphore, #tpu.memory_space<semaphore_mem>>
        tpu.enqueue_indirect_dma source(%dma_start3A_197 : memref<128512x4096xf32, #tpu.memory_space<hbm>>) target(%dma_start3A_191 : memref<8x4096xf32, #tpu.memory_space<vmem>>) offsets(%dma_start3A_194 : memref<8xi32, #tpu.memory_space<vmem>>) semaphore(%dma_start3A_199 : memref<!tpu.dma_semaphore, #tpu.memory_space<semaphore_mem>>)
      } else {
      }
      %add3A_121 = arith.constant 1 : i32
      %add3A_122 = arith.addi %add3A_79, %add3A_121 : i32
      %dma_wait3A_123 = arith.constant 0 : i32
      %dma_wait3A_124 = arith.constant 1 : i32
      %dma_wait3A_125 = arith.constant 1 : i32
      %dma_wait3A_126 = arith.constant 0 : i32
      %dma_wait3A_127 = arith.constant 0 : i32
      %dma_wait3A_128 = tpu.memref_slice %arg6[%dma_wait3A_124, %dma_wait3A_126, %dma_wait3A_127] : memref<2x8x4096xf32, #tpu.memory_space<vmem>> -> memref<1x8x4096xf32, #tpu.memory_space<vmem>>
      %dma_wait3A_129 = tpu.memref_squeeze %dma_wait3A_128 : memref<1x8x4096xf32, #tpu.memory_space<vmem>> -> memref<8x4096xf32, #tpu.memory_space<vmem>>
      %dma_wait3A_130 = arith.constant 0 : i32
      %dma_wait3A_131 = tpu.memref_slice %arg5[%dma_wait3A_123, %dma_wait3A_130] : memref<32x8xi32, #tpu.memory_space<vmem>> -> memref<1x8xi32, #tpu.memory_space<vmem>>
      %dma_wait3A_132 = tpu.memref_squeeze %dma_wait3A_131 : memref<1x8xi32, #tpu.memory_space<vmem>> -> memref<8xi32, #tpu.memory_space<vmem>>
      %dma_wait3A_133 = arith.constant 0 : i32
      %dma_wait3A_134 = arith.constant 0 : i32
      %dma_wait3A_135 = tpu.memref_slice %arg3[%dma_wait3A_133, %dma_wait3A_134] : memref<128512x4096xf32, #tpu.memory_space<hbm>> -> memref<128512x4096xf32, #tpu.memory_space<hbm>>
      %dma_wait3A_136 = tpu.memref_slice %arg7[%dma_wait3A_125] : memref<2x!tpu.dma_semaphore, #tpu.memory_space<semaphore_mem>> -> memref<1x!tpu.dma_semaphore, #tpu.memory_space<semaphore_mem>>
      %dma_wait3A_137 = tpu.memref_squeeze %dma_wait3A_136 : memref<1x!tpu.dma_semaphore, #tpu.memory_space<semaphore_mem>> -> memref<!tpu.dma_semaphore, #tpu.memory_space<semaphore_mem>>
      tpu.wait_indirect_dma semaphore(%dma_wait3A_137 : memref<!tpu.dma_semaphore, #tpu.memory_space<semaphore_mem>>) src(%dma_wait3A_135 : memref<128512x4096xf32, #tpu.memory_space<hbm>>) dst(%dma_wait3A_129 : memref<8x4096xf32, #tpu.memory_space<vmem>>)
      %dma_start3A_138 = arith.constant 1 : i32
      %dma_start3A_139 = arith.constant 1 : i32
      %dma_start3A_140 = arith.constant 0 : i32
      %dma_start3A_141 = arith.constant 0 : i32
      %dma_start3A_142 = tpu.memref_slice %arg6[%dma_start3A_138, %dma_start3A_140, %dma_start3A_141] : memref<2x8x4096xf32, #tpu.memory_space<vmem>> -> memref<1x8x4096xf32, #tpu.memory_space<vmem>>
      %dma_start3A_143 = tpu.memref_squeeze %dma_start3A_142 : memref<1x8x4096xf32, #tpu.memory_space<vmem>> -> memref<8x4096xf32, #tpu.memory_space<vmem>>
      %dma_start3A_144 = arith.constant 0 : i32
      %dma_start3A_145 = arith.constant 0 : i32
      %dma_start3A_146 = tpu.memref_slice %arg4[%add3A, %add3A_122, %dma_start3A_144, %dma_start3A_145] : memref<32x32x8x4096xf32, #tpu.memory_space<hbm>> -> memref<1x1x8x4096xf32, #tpu.memory_space<hbm>>
      %dma_start3A_147 = tpu.memref_squeeze %dma_start3A_146 : memref<1x1x8x4096xf32, #tpu.memory_space<hbm>> -> memref<8x4096xf32, #tpu.memory_space<hbm>>
      %dma_start3A_148 = tpu.memref_slice %arg8[%dma_start3A_139] : memref<2x!tpu.dma_semaphore, #tpu.memory_space<semaphore_mem>> -> memref<1x!tpu.dma_semaphore, #tpu.memory_space<semaphore_mem>>
      %dma_start3A_149 = tpu.memref_squeeze %dma_start3A_148 : memref<1x!tpu.dma_semaphore, #tpu.memory_space<semaphore_mem>> -> memref<!tpu.dma_semaphore, #tpu.memory_space<semaphore_mem>>
      %dma_start3A_150 = arith.constant 0 : i32
      %dma_start3A_151 = arith.constant 0 : i32
      %dma_start3A_152 = tpu.memref_slice %arg4[%add3A, %add3A_122, %dma_start3A_150, %dma_start3A_151] : memref<32x32x8x4096xf32, #tpu.memory_space<hbm>> -> memref<1x1x8x4096xf32, #tpu.memory_space<hbm>>
      %dma_start3A_153 = tpu.memref_squeeze %dma_start3A_152 : memref<1x1x8x4096xf32, #tpu.memory_space<hbm>> -> memref<8x4096xf32, #tpu.memory_space<hbm>>
      %dma_start3A_154 = arith.constant 0 : i32
      %dma_start3A_155 = arith.constant 0 : i32
      %dma_start3A_156 = tpu.memref_slice %arg6[%dma_start3A_138, %dma_start3A_154, %dma_start3A_155] : memref<2x8x4096xf32, #tpu.memory_space<vmem>> -> memref<1x8x4096xf32, #tpu.memory_space<vmem>>
      %dma_start3A_157 = tpu.memref_squeeze %dma_start3A_156 : memref<1x8x4096xf32, #tpu.memory_space<vmem>> -> memref<8x4096xf32, #tpu.memory_space<vmem>>
      tpu.enqueue_dma source(%dma_start3A_157 : memref<8x4096xf32, #tpu.memory_space<vmem>>) target(%dma_start3A_153 : memref<8x4096xf32, #tpu.memory_space<hbm>>) target_semaphore(%dma_start3A_149 : memref<!tpu.dma_semaphore, #tpu.memory_space<semaphore_mem>>)
      %add3A_158 = arith.constant 2 : i32
      %add3A_159 = arith.addi %add3A_122, %add3A_158 : i32
      %lt3A_160 = arith.constant 32 : i32
      %lt3A_161 = arith.cmpi slt, %add3A_159, %lt3A_160 : i32
      %convert_element_type3A_162 = arith.extui %lt3A_161 : i1 to i32
      %cond3A_163 = arith.constant 0 : i32
      %cond3A_164 = arith.cmpi ne, %convert_element_type3A_162, %cond3A_163 : i32
      scf.if %cond3A_164 {
        %dma_wait3A_165 = arith.constant 1 : i32
        %dma_wait3A_166 = arith.constant 0 : i32
        %dma_wait3A_167 = arith.constant 1 : i32
        %dma_wait3A_168 = arith.constant 0 : i32
        %dma_wait3A_169 = arith.constant 0 : i32
        %dma_wait3A_170 = tpu.memref_slice %arg6[%dma_wait3A_165, %dma_wait3A_168, %dma_wait3A_169] : memref<2x8x4096xf32, #tpu.memory_space<vmem>> -> memref<1x8x4096xf32, #tpu.memory_space<vmem>>
        %dma_wait3A_171 = tpu.memref_squeeze %dma_wait3A_170 : memref<1x8x4096xf32, #tpu.memory_space<vmem>> -> memref<8x4096xf32, #tpu.memory_space<vmem>>
        %dma_wait3A_172 = arith.constant 0 : i32
        %dma_wait3A_173 = arith.constant 0 : i32
        %dma_wait3A_174 = tpu.memref_slice %arg4[%add3A, %dma_wait3A_166, %dma_wait3A_172, %dma_wait3A_173] : memref<32x32x8x4096xf32, #tpu.memory_space<hbm>> -> memref<1x1x8x4096xf32, #tpu.memory_space<hbm>>
        %dma_wait3A_175 = tpu.memref_squeeze %dma_wait3A_174 : memref<1x1x8x4096xf32, #tpu.memory_space<hbm>> -> memref<8x4096xf32, #tpu.memory_space<hbm>>
        %dma_wait3A_176 = tpu.memref_slice %arg8[%dma_wait3A_167] : memref<2x!tpu.dma_semaphore, #tpu.memory_space<semaphore_mem>> -> memref<1x!tpu.dma_semaphore, #tpu.memory_space<semaphore_mem>>
        %dma_wait3A_177 = tpu.memref_squeeze %dma_wait3A_176 : memref<1x!tpu.dma_semaphore, #tpu.memory_space<semaphore_mem>> -> memref<!tpu.dma_semaphore, #tpu.memory_space<semaphore_mem>>
        %dma_wait3A_178 = arith.constant 0 : i32
        %dma_wait3A_179 = arith.constant 0 : i32
        %dma_wait3A_180 = tpu.memref_slice %arg4[%add3A, %dma_wait3A_166, %dma_wait3A_178, %dma_wait3A_179] : memref<32x32x8x4096xf32, #tpu.memory_space<hbm>> -> memref<1x1x8x4096xf32, #tpu.memory_space<hbm>>
        %dma_wait3A_181 = tpu.memref_squeeze %dma_wait3A_180 : memref<1x1x8x4096xf32, #tpu.memory_space<hbm>> -> memref<8x4096xf32, #tpu.memory_space<hbm>>
        %dma_wait3A_182 = arith.constant 0 : i32
        %dma_wait3A_183 = arith.constant 0 : i32
        %dma_wait3A_184 = tpu.memref_slice %arg6[%dma_wait3A_165, %dma_wait3A_182, %dma_wait3A_183] : memref<2x8x4096xf32, #tpu.memory_space<vmem>> -> memref<1x8x4096xf32, #tpu.memory_space<vmem>>
        %dma_wait3A_185 = tpu.memref_squeeze %dma_wait3A_184 : memref<1x8x4096xf32, #tpu.memory_space<vmem>> -> memref<8x4096xf32, #tpu.memory_space<vmem>>
        tpu.wait_dma2 semaphore(%dma_wait3A_177 : memref<!tpu.dma_semaphore, #tpu.memory_space<semaphore_mem>>) src(%dma_wait3A_185 : memref<8x4096xf32, #tpu.memory_space<vmem>>) dst(%dma_wait3A_181 : memref<8x4096xf32, #tpu.memory_space<hbm>>)
        %dma_start3A_186 = arith.constant 1 : i32
        %dma_start3A_187 = arith.constant 1 : i32
        %dma_start3A_188 = arith.constant 0 : i32
        %dma_start3A_189 = arith.constant 0 : i32
        %dma_start3A_190 = tpu.memref_slice %arg6[%dma_start3A_186, %dma_start3A_188, %dma_start3A_189] : memref<2x8x4096xf32, #tpu.memory_space<vmem>> -> memref<1x8x4096xf32, #tpu.memory_space<vmem>>
        %dma_start3A_191 = tpu.memref_squeeze %dma_start3A_190 : memref<1x8x4096xf32, #tpu.memory_space<vmem>> -> memref<8x4096xf32, #tpu.memory_space<vmem>>
        %dma_start3A_192 = arith.constant 0 : i32
        %dma_start3A_193 = tpu.memref_slice %arg5[%add3A_159, %dma_start3A_192] : memref<32x8xi32, #tpu.memory_space<vmem>> -> memref<1x8xi32, #tpu.memory_space<vmem>>
        %dma_start3A_194 = tpu.memref_squeeze %dma_start3A_193 : memref<1x8xi32, #tpu.memory_space<vmem>> -> memref<8xi32, #tpu.memory_space<vmem>>
        %dma_start3A_195 = arith.constant 0 : i32
        %dma_start3A_196 = arith.constant 0 : i32
        %dma_start3A_197 = tpu.memref_slice %arg3[%dma_start3A_195, %dma_start3A_196] : memref<128512x4096xf32, #tpu.memory_space<hbm>> -> memref<128512x4096xf32, #tpu.memory_space<hbm>>
        %dma_start3A_198 = tpu.memref_slice %arg7[%dma_start3A_187] : memref<2x!tpu.dma_semaphore, #tpu.memory_space<semaphore_mem>> -> memref<1x!tpu.dma_semaphore, #tpu.memory_space<semaphore_mem>>
        %dma_start3A_199 = tpu.memref_squeeze %dma_start3A_198 : memref<1x!tpu.dma_semaphore, #tpu.memory_space<semaphore_mem>> -> memref<!tpu.dma_semaphore, #tpu.memory_space<semaphore_mem>>
        tpu.enqueue_indirect_dma source(%dma_start3A_197 : memref<128512x4096xf32, #tpu.memory_space<hbm>>) target(%dma_start3A_191 : memref<8x4096xf32, #tpu.memory_space<vmem>>) offsets(%dma_start3A_194 : memref<8xi32, #tpu.memory_space<vmem>>) semaphore(%dma_start3A_199 : memref<!tpu.dma_semaphore, #tpu.memory_space<semaphore_mem>>)
      } else {
      }
    }
    %scan3A_33 = arith.constant 16 : i32
    %dma_wait3A = arith.constant 0 : i32
    %dma_wait3A_34 = arith.constant 0 : i32
    %dma_wait3A_35 = arith.constant 0 : i32
    %dma_wait3A_36 = arith.constant 0 : i32
    %dma_wait3A_37 = arith.constant 0 : i32
    %dma_wait3A_38 = tpu.memref_slice %arg6[%dma_wait3A, %dma_wait3A_36, %dma_wait3A_37] : memref<2x8x4096xf32, #tpu.memory_space<vmem>> -> memref<1x8x4096xf32, #tpu.memory_space<vmem>>
    %dma_wait3A_39 = tpu.memref_squeeze %dma_wait3A_38 : memref<1x8x4096xf32, #tpu.memory_space<vmem>> -> memref<8x4096xf32, #tpu.memory_space<vmem>>
    %dma_wait3A_40 = arith.constant 0 : i32
    %dma_wait3A_41 = arith.constant 0 : i32
    %dma_wait3A_42 = tpu.memref_slice %arg4[%add3A, %dma_wait3A_34, %dma_wait3A_40, %dma_wait3A_41] : memref<32x32x8x4096xf32, #tpu.memory_space<hbm>> -> memref<1x1x8x4096xf32, #tpu.memory_space<hbm>>
    %dma_wait3A_43 = tpu.memref_squeeze %dma_wait3A_42 : memref<1x1x8x4096xf32, #tpu.memory_space<hbm>> -> memref<8x4096xf32, #tpu.memory_space<hbm>>
    %dma_wait3A_44 = tpu.memref_slice %arg8[%dma_wait3A_35] : memref<2x!tpu.dma_semaphore, #tpu.memory_space<semaphore_mem>> -> memref<1x!tpu.dma_semaphore, #tpu.memory_space<semaphore_mem>>
    %dma_wait3A_45 = tpu.memref_squeeze %dma_wait3A_44 : memref<1x!tpu.dma_semaphore, #tpu.memory_space<semaphore_mem>> -> memref<!tpu.dma_semaphore, #tpu.memory_space<semaphore_mem>>
    %dma_wait3A_46 = arith.constant 0 : i32
    %dma_wait3A_47 = arith.constant 0 : i32
    %dma_wait3A_48 = tpu.memref_slice %arg4[%add3A, %dma_wait3A_34, %dma_wait3A_46, %dma_wait3A_47] : memref<32x32x8x4096xf32, #tpu.memory_space<hbm>> -> memref<1x1x8x4096xf32, #tpu.memory_space<hbm>>
    %dma_wait3A_49 = tpu.memref_squeeze %dma_wait3A_48 : memref<1x1x8x4096xf32, #tpu.memory_space<hbm>> -> memref<8x4096xf32, #tpu.memory_space<hbm>>
    %dma_wait3A_50 = arith.constant 0 : i32
    %dma_wait3A_51 = arith.constant 0 : i32
    %dma_wait3A_52 = tpu.memref_slice %arg6[%dma_wait3A, %dma_wait3A_50, %dma_wait3A_51] : memref<2x8x4096xf32, #tpu.memory_space<vmem>> -> memref<1x8x4096xf32, #tpu.memory_space<vmem>>
    %dma_wait3A_53 = tpu.memref_squeeze %dma_wait3A_52 : memref<1x8x4096xf32, #tpu.memory_space<vmem>> -> memref<8x4096xf32, #tpu.memory_space<vmem>>
    tpu.wait_dma2 semaphore(%dma_wait3A_45 : memref<!tpu.dma_semaphore, #tpu.memory_space<semaphore_mem>>) src(%dma_wait3A_53 : memref<8x4096xf32, #tpu.memory_space<vmem>>) dst(%dma_wait3A_49 : memref<8x4096xf32, #tpu.memory_space<hbm>>)
    %dma_wait3A_54 = arith.constant 1 : i32
    %dma_wait3A_55 = arith.constant 0 : i32
    %dma_wait3A_56 = arith.constant 1 : i32
    %dma_wait3A_57 = arith.constant 0 : i32
    %dma_wait3A_58 = arith.constant 0 : i32
    %dma_wait3A_59 = tpu.memref_slice %arg6[%dma_wait3A_54, %dma_wait3A_57, %dma_wait3A_58] : memref<2x8x4096xf32, #tpu.memory_space<vmem>> -> memref<1x8x4096xf32, #tpu.memory_space<vmem>>
    %dma_wait3A_60 = tpu.memref_squeeze %dma_wait3A_59 : memref<1x8x4096xf32, #tpu.memory_space<vmem>> -> memref<8x4096xf32, #tpu.memory_space<vmem>>
    %dma_wait3A_61 = arith.constant 0 : i32
    %dma_wait3A_62 = arith.constant 0 : i32
    %dma_wait3A_63 = tpu.memref_slice %arg4[%add3A, %dma_wait3A_55, %dma_wait3A_61, %dma_wait3A_62] : memref<32x32x8x4096xf32, #tpu.memory_space<hbm>> -> memref<1x1x8x4096xf32, #tpu.memory_space<hbm>>
    %dma_wait3A_64 = tpu.memref_squeeze %dma_wait3A_63 : memref<1x1x8x4096xf32, #tpu.memory_space<hbm>> -> memref<8x4096xf32, #tpu.memory_space<hbm>>
    %dma_wait3A_65 = tpu.memref_slice %arg8[%dma_wait3A_56] : memref<2x!tpu.dma_semaphore, #tpu.memory_space<semaphore_mem>> -> memref<1x!tpu.dma_semaphore, #tpu.memory_space<semaphore_mem>>
    %dma_wait3A_66 = tpu.memref_squeeze %dma_wait3A_65 : memref<1x!tpu.dma_semaphore, #tpu.memory_space<semaphore_mem>> -> memref<!tpu.dma_semaphore, #tpu.memory_space<semaphore_mem>>
    %dma_wait3A_67 = arith.constant 0 : i32
    %dma_wait3A_68 = arith.constant 0 : i32
    %dma_wait3A_69 = tpu.memref_slice %arg4[%add3A, %dma_wait3A_55, %dma_wait3A_67, %dma_wait3A_68] : memref<32x32x8x4096xf32, #tpu.memory_space<hbm>> -> memref<1x1x8x4096xf32, #tpu.memory_space<hbm>>
    %dma_wait3A_70 = tpu.memref_squeeze %dma_wait3A_69 : memref<1x1x8x4096xf32, #tpu.memory_space<hbm>> -> memref<8x4096xf32, #tpu.memory_space<hbm>>
    %dma_wait3A_71 = arith.constant 0 : i32
    %dma_wait3A_72 = arith.constant 0 : i32
    %dma_wait3A_73 = tpu.memref_slice %arg6[%dma_wait3A_54, %dma_wait3A_71, %dma_wait3A_72] : memref<2x8x4096xf32, #tpu.memory_space<vmem>> -> memref<1x8x4096xf32, #tpu.memory_space<vmem>>
    %dma_wait3A_74 = tpu.memref_squeeze %dma_wait3A_73 : memref<1x8x4096xf32, #tpu.memory_space<vmem>> -> memref<8x4096xf32, #tpu.memory_space<vmem>>
    tpu.wait_dma2 semaphore(%dma_wait3A_66 : memref<!tpu.dma_semaphore, #tpu.memory_space<semaphore_mem>>) src(%dma_wait3A_74 : memref<8x4096xf32, #tpu.memory_space<vmem>>) dst(%dma_wait3A_70 : memref<8x4096xf32, #tpu.memory_space<hbm>>)
    return
  }
}

</mosaic_0001>

<sc_bundles>
// kernel: _embed_sc.3.cloned.1.call-start
scs
__scs_entry_jumppad:
0x0: {  	(pc) =	sbr.rel $0x88, $3  }
0x1: {  	(tag) =	ssettag $0x0;
	lr =	simm.s32 $0x1  }
0x2: {  	[smem:$0x3F9F] =	sst lr;
	_ =	strace $0xD0000000  }
0x3: {  	_ = 	snop  }
0x4: {  	_ = 	snop  }
0x5: {  	_ = 	snop  }
0x6: {  	_ = 	snop  }
0x7: {  	_ = 	snop  }
__scs_overlays_trampoline_lowered:
0x8: {  	[smem:$0x3FAE] =	sst s0  }
0x9: {  	[smem:$0x3FAF] =	sst s1  }
0xa: {  	[smem:$0x3FB0] =	sst s2  }
0xb: {  	[smem:$0x3FB1] =	sst s3  }
0xc: {  	[smem:$0x3FB2] =	sst s4  }
0xd: {  	[smem:$0x3FB3] =	sst s5  }
0xe: {  	[smem:$0x3FB4] =	sst s6  }
0xf: {  	[smem:$0x3FB5] =	sst s7  }
0x10: {  	[smem:$0x3FB6] =	sst s8  }
0x11: {  	[smem:$0x3FB7] =	sst s9;
	s0 =	simm.s32 @!p0 $0x0  }
0x12: {  	s1 =	sld [smem:$0x3F9D];
	s0 =	simm.s32 @p0 $0x1  }
0x13: {  	[smem:$0x3FB8] =	sst s0;
	s0 =	simm.s32 @!p1 $0x0  }
0x14: {  	s2 =	sld [smem:$0x3F9C];
	s0 =	simm.s32 @p1 $0x1  }
0x15: {  	[smem:$0x3FB9] =	sst s0;
	s0 =	simm.s32 @!p2 $0x0  }
0x16: {  	s3 =	sld [smem:$0x3FDB];
	s0 =	simm.s32 @p2 $0x1  }
0x17: {  	s4 =	simm.s32 $0x1BF5;
	[smem:$0x3FBB] =	sst s0  }
0x18: {  	s0 =	sld [smem:$0x3F9E];
	_ =	swait.ge [sflag:s4], $0x0  }
0x19: {  	s7 =	sld [smem:$0x3F9F]  }
0x1a: {  	s8 =	sadd.s32 $0xFFFFE003, lr  }
0x1b: {  	s9 =	sadd.s32 $0xFFFFFEF7, lr;
	s5 =	simm.s32 $0xFFFFFFFF;
	p2 =	slt.u32 s8, $0xFFFFF086  }
0x1c: {  	p1 =	slt.u32 s9, $0xF7A;
	s5 =	simm.s32 @!p2 $0x0  }
0x1d: {  	s5 =	simm.s32 @p1 $0x1;
	p0 =	seq.s32 s7, s2  }
0x1e: {  	s7 =	smul.u32 @!p0 $0xF7A, s2;
	p2 =	seq.s32 @!p0 s5, $0x0  }
0x1f: {  	s9 =	smul.u32 $0xF7A, s1;
	s8 =	simm.s32 @!p0 $0x1BF5;
	p2 =	por !p2, p0  }
0x20: {  	[sflag:s8] =	ssyncset.s32 @!p0 $0xFFFFF086;
	s6 =	sadd.s32 @!p0 s3, s7;
	s7 =	simm.s32 @!p0 $0x108  }
0x21: {  	s3 =	sadd.s32 s3, s9;
	s6 =	sadd.s32 @!p0 $0x88, s6;
	s7 =	simm.s32 @p2 $0x1082  }
0x22: {  	[simem:s7], [sflag:s8] =	dma.local @!p0 [hbm:s6], $0xF7A  }
0x23: {  	s9 =	sor.u32 $0xD0000000, s2;
	s6 =	simm.s32 $0x108;
	_ =	swait.ge @!p0 [sflag:s8], $0x0  }
0x24: {  	s3 =	sadd.s32 $0x88, s3;
	s6 =	simm.s32 @!p1 $0x1082;
	[sflag:s4] =	ssyncset.s32 $0xFFFFF086  }
0x25: {  	[simem:s6], [sflag:s4] =	dma.local [hbm:s3], $0xF7A  }
0x26: {  	[smem:$0x3F9F] =	sst s1;
	(tag) =	ssettag s2;
	_ =	strace s9  }
0x27: {  	s1 =	sld [smem:$0x3FAF]  }
0x28: {  	s2 =	sld [smem:$0x3FB0]  }
0x29: {  	s4 =	sld [smem:$0x3FB2]  }
0x2a: {  	p0 =	seq.s32 s5, $0x0;
	s5 =	sld [smem:$0x3FB3]  }
0x2b: {  	s6 =	sld [smem:$0x3FB4]  }
0x2c: {  	s7 =	sld [smem:$0x3FB5]  }
0x2d: {  	s3 =	simm.s32 $0x108;
	s8 =	sld [smem:$0x3FB6]  }
0x2e: {  	s3 =	simm.s32 @!p0 $0x1082;
	s9 =	sld [smem:$0x3FB7]  }
0x2f: {  	lr =	sadd.s32 s0, s3;
	s0 =	sld [smem:$0x3FAE]  }
0x30: {  	s3 =	sld [smem:$0x3FB1]  }
0x31: {  	[smem:$0x3FBA] =	sst s10  }
0x32: {  	s10 =	sld [smem:$0x3FB8];
	_ =	sdelay $0x3  }
0x33: {  	p0 =	seq.s32 s10, $0x1;
	s10 =	sld [smem:$0x3FBA];
	_ =	sdelay $0x3  }
0x34: {  	[smem:$0x3FBA] =	sst s10  }
0x35: {  	s10 =	sld [smem:$0x3FB9];
	_ =	sdelay $0x3  }
0x36: {  	p1 =	seq.s32 s10, $0x1;
	s10 =	sld [smem:$0x3FBA];
	_ =	sdelay $0x3  }
0x37: {  	[smem:$0x3FBA] =	sst s10  }
0x38: {  	s10 =	sld [smem:$0x3FBB]  }
0x39: {  	_ = 	snop;
	(pc) =	sbr.ind lr, $3  }
0x3a: {  	_ = 	snop  }
0x3b: {  	_ = 	snop  }
0x3c: {  	p2 =	seq.s32 s10, $0x1;
	s10 =	sld [smem:$0x3FBA]  }
0x3d: {  	_ =	shalt  }
0x3e: {  	_ =	shalt  }
0x3f: {  	_ =	shalt  }
0x40: {  	_ =	shalt  }
0x41: {  	_ =	shalt  }
0x42: {  	_ =	shalt  }
0x43: {  	_ =	shalt  }
0x44: {  	_ =	shalt  }
0x45: {  	_ =	shalt  }
0x46: {  	_ =	shalt  }
0x47: {  	_ =	shalt  }
0x48: {  	_ =	shalt  }
0x49: {  	_ =	shalt  }
0x4a: {  	_ =	shalt  }
0x4b: {  	_ =	shalt  }
0x4c: {  	_ =	shalt  }
0x4d: {  	_ =	shalt  }
0x4e: {  	_ =	shalt  }
0x4f: {  	_ =	shalt  }
0x50: {  	_ =	shalt  }
0x51: {  	_ =	shalt  }
0x52: {  	_ =	shalt  }
0x53: {  	_ =	shalt  }
0x54: {  	_ =	shalt  }
0x55: {  	_ =	shalt  }
0x56: {  	_ =	shalt  }
0x57: {  	_ =	shalt  }
0x58: {  	_ =	shalt  }
0x59: {  	_ =	shalt  }
0x5a: {  	_ =	shalt  }
0x5b: {  	_ =	shalt  }
0x5c: {  	_ =	shalt  }
0x5d: {  	_ =	shalt  }
0x5e: {  	_ =	shalt  }
0x5f: {  	_ =	shalt  }
0x60: {  	_ =	shalt  }
0x61: {  	_ =	shalt  }
0x62: {  	_ =	shalt  }
0x63: {  	_ =	shalt  }
0x64: {  	_ =	shalt  }
0x65: {  	_ =	shalt  }
0x66: {  	_ =	shalt  }
0x67: {  	_ =	shalt  }
0x68: {  	_ =	shalt  }
0x69: {  	_ =	shalt  }
0x6a: {  	_ =	shalt  }
0x6b: {  	_ =	shalt  }
0x6c: {  	_ =	shalt  }
0x6d: {  	_ =	shalt  }
0x6e: {  	_ =	shalt  }
0x6f: {  	_ =	shalt  }
0x70: {  	_ =	shalt  }
0x71: {  	_ =	shalt  }
0x72: {  	_ =	shalt  }
0x73: {  	_ =	shalt  }
0x74: {  	_ =	shalt  }
0x75: {  	_ =	shalt  }
0x76: {  	_ =	shalt  }
0x77: {  	_ =	shalt  }
0x78: {  	_ =	shalt  }
0x79: {  	_ =	shalt  }
0x7a: {  	_ =	shalt  }
0x7b: {  	_ =	shalt  }
0x7c: {  	_ =	shalt  }
0x7d: {  	_ =	shalt  }
0x7e: {  	_ =	shalt  }
0x7f: {  	_ =	shalt  }
0x80: {  	_ =	shalt  }
0x81: {  	_ =	shalt  }
0x82: {  	_ =	shalt  }
0x83: {  	_ =	shalt  }
0x84: {  	_ =	shalt  }
0x85: {  	_ =	shalt  }
0x86: {  	_ =	shalt  }
0x87: {  	_ =	shalt  }
.Lfunc_end0:
.L_simem_size_0:
called_computation_lowered:
.L_overlay_start_0:
0x88: {  	s2 =	sld [smem:$0x3FD9]  }
0x89: {  	s3 =	sld [smem:$0x3FFE];
	_ =	sdelay $0x1  }
0x8a: {  	s1 =	srdreg.scid  }
0x8b: {  	s0 =	sand.u32 $0x1, s1  }
0x8c: {  	s17 =	sshll.u32 s0, $0xA;
	s2 =	sadd.s32 s3, s2  }
0x8d: {  	s2 =	sadd.s32 s2, s17  }
0x8e: {  	[smem:$0x3FC6] =	sst s2  }
0x8f: {  	_ = 	snop  }
0x90: {  	s2 =	sld [smem:$0x3FC8]  }
0x91: {  	s18 =	sld [smem:$0x3FD0];
	(tm) =	ssettm $0x1  }
0x92: {  	s4 =	sld [smem:$0x3FFB];
	_ =	sdelay $0x3  }
0x93: {  	_ =	strace s4  }
0x94: {  	s4 =	sld [smem:$0x3FFC];
	_ =	sdelay $0x3  }
0x95: {  	_ =	strace s4  }
0x96: {  	s4 =	sld [smem:$0x3FFD];
	_ =	sdelay $0x3  }
0x97: {  	_ =	strace s4  }
0x98: {  	_ =	strace $0x8FFFFFFF  }
0x99: {  	s19 =	sld [smem:$0x3FDB];
	_ =	sdelay $0x1  }
0x9a: {  	s5 =	simm.s32 $_scs_section_size  }
0x9b: {  	s6 =	simm.s32 $_size__tile_overlayer_lowered;
	s7 =	simm.s32 $_tile_overlayer_lowered  }
0x9c: {  	s22 =	simm.s32 $0x1BFF;
	s21 =	sshll.u32 s7, $0x1;
	s4 =	sadd.s32 s5, s19  }
0x9d: {  	s8 =	simm.s32 $0x0;
	s20 =	sshll.u32 s6, $0x1;
	s6 =	sadd.s32 s21, s4  }
0x9e: {  	[timem:s8], [sflag:s22] =	dma.local [hbm:s6], s20  }
0x9f: {  	_ =	swait.ge [sflag:s22], s20  }
0xa0: {  	s5 =	ssub.s32 $0x0, s20;
	[sflag:s22] =	ssyncset.done $0x0  }
0xa1: {  	[sflag:s22] =	ssyncadd.s32 s5;
	_ =	sdelay $0x1  }
0xa2: {  	s23 =	simm.s32 $0x1B8B  }
0xa3: {  	_ =	swait.ge [sflag:s23], $0x1  }
0xa4: {  	[sflag:s23] =	ssyncset.done $0x0  }
0xa5: {  	s25 =	simm.s32 $0x1B8E;
	s24 =	sld [smem:$0x3FFE];
	[sflag:s23] =	ssyncadd.s32 $0xFFFFFFFF  }
0xa6: {  	s26 =	simm.s32 $execute0_lowered;
	[smem:$0x3FD2] =	sst s25  }
0xa7: {  	s6 =	sshll.u32 s26, $0x1;
	_ =	strace $0x80000046;
	[dreg:$0x1] =	wrdreg $0xFFFFFFFF  }
0xa8: {  	s28 =	simm.s32 $_size_execute0_lowered;
	s4 =	sadd.s32 s4, s6;
	[dreg:$0x0] =	wrdreg $0x0  }
0xa9: {  	s6 =	sshll.u32 s28, $0x1;
	[dreg:$0x2] =	wrdreg s4  }
0xaa: {  	[dreg:$0x3] =	wrdreg s6  }
0xab: {  	[dreg:$0x4] =	wrdreg $0xC0  }
0xac: {  	_ =	task [dreg:s8], $0x5FFFF  }
0xad: {  	[dreg:$0x1] =	wrdreg $0xFFFFFFFF  }
0xae: {  	[dreg:$0x0] =	wrdreg $0x60  }
0xaf: {  	[dreg:$0x2] =	wrdreg s24  }
0xb0: {  	[dreg:$0x3] =	wrdreg s2  }
0xb1: {  	[dreg:$0x4] =	wrdreg s18  }
0xb2: {  	[dreg:$0x5] =	wrdreg $0x9  }
0xb3: {  	_ =	task.clear_ibuf [dreg:s8], $0x6FFFF;
	_ =	strace $0x90000046  }
0xb4: {  	s29 =	simm.s32 $0x9;
	_ =	strace $0x80000048  }
0xb5: {  	_ =	swait.ge [sflag:s29], $0x1  }
0xb6: {  	[sflag:s29] =	ssyncadd.s32 $0xFFFFFFFF  }
0xb7: {  	_ =	strace $0x90000048  }
0xb8: {  	_ =	sfence  }
0xb9: {  	s30 =	sld [smem:$0x0];
	_ =	sdelay $0x2  }
0xba: {  	s31 =	sshll.u32 s1, $0xD;
	s1 =	sshrl.u32 s1, $0x2  }
0xbb: {  	s3 =	sand.u32 $0x4000, s31;
	s1 =	sadd.s32 s1, s30  }
0xbc: {  	s0 =	sor.u32 s3, s0;
	s1 =	sshll.u32 s1, $0x11  }
0xbd: {  	s0 =	sor.u32 s1, s0  }
0xbe: {  	s0 =	sadd.s32 $0x8F2B, s0  }
0xbf: {  	[sflag:s0] =	ssyncadd.remote.s32 $0x1  }
0xc0: {  	_ =	sfence.sel $0xFFFF  }
0xc1: {  	[dreg:$0x0] =	wrdreg $0xFFFFFFFF;
	(pc) =	sbr.abs _section_cstart, $3  }
0xc2: {  	[dreg:$0x1] =	wrdreg $0xFFFFFFFF  }
0xc3: {  	_ =	task.clear_ibuf [dreg:s8], $0x2FFFF;
	_ =	strace $0x9FFFFFFF  }
0xc4: {  	(tm) =	ssettm $0x7FFFFFFF  }
0xc5: {  	_ =	shalt  }
tec
execute0_lowered:
.L_overlay_start_1:
0x0: {  	(tag) =	ssettag $0x1  }
0x1: {  	s0 =	rddreg [dreg:$0x0]  }
0x2: {  	s31 =	rddreg [dreg:$0x1]  }
0x3: {  	s1 =	rddreg [dreg:$0x2]  }
0x4: {  	s3 =	srdreg.scid;
	s17 =	stileid.u32;
	s22 =	simm.s32 $0x2000  }
0x5: {  	s29 =	simm.s32 $0x3800;
	s30 =	simm.s32 $0x4000;
	s2 =	simm.s32 $0x4800  }
0x6: {  	s28 =	simm.s32 $0x9000;
	s4 =	sand.u32 $0x1, s3;
	s5 =	sshll.u32 s17, $0x1  }
0x7: {  	s3 =	simm.s32 $0x0;
	s8 =	sadd.s32 $0x400, s31;
	s9 =	sadd.s32 $0x500, s31  }
0x8: {  	s10 =	sadd.s32 $0x600, s31;
	s11 =	sadd.s32 $0x700, s31;
	s12 =	sadd.s32 $0x800, s31  }
0x9: {  	s13 =	sadd.s32 $0x900, s31;
	s14 =	sadd.s32 $0xA00, s31;
	s15 =	sadd.s32 $0xB00, s31  }
0xa: {  	s16 =	sadd.s32 $0xC00, s31;
	s24 =	sshll.u32 s17, $0x15;
	s17 =	sadd.s32 $0xD00, s31  }
0xb: {  	s18 =	sadd.s32 $0xE00, s31;
	s19 =	sadd.s32 $0xF00, s31;
	s20 =	sor.u32 s4, s5  }
0xc: {  	s23 =	ssub.s32 $0x2, s4;
	[smem:$0x7FF] =	sst s3;
	s5 =	sadd.s32 $0x100, s31  }
0xd: {  	s4 =	sshll.u32 s4, $0x14;
	s6 =	sshll.u32 s20, $0x9;
	s7 =	sshrl.u32 s23, $0x1  }
0xe: {  	_ =	strace $0x80000047;
	s20 =	sshll.u32 s20, $0x11;
	s0 =	sadd.s32 s6, s0  }
0xf: {  	s21 =	ssub.s32 s23, s7;
	s6 =	sadd.s32 $0x200, s31;
	s20 =	sadd.s32 s1, s20  }
0x10: {  	s7 =	sadd.s32 $0x300, s31;
	s0 =	sadd.s32 $0x400, s0;
	[dreg:$0x8] =	wrdreg s20  }
0x11: {  	s23 =	simm.s32 $0x1800;
	s25 =	smax.u32 s21, $0x1;
	[dreg:$0x6] =	wrdreg s0  }
0x12: {  	s20 =	sadd.s32 $0x1F000, s20;
	s21 =	simm.s32 $0x0;
	[dreg:$0x7] =	wrdreg s25  }
0x13: {  	s0 =	sor.u32 s4, s24;
	[dreg:$0x9] =	wrdreg s20;
	s24 =	simm.s32 $0x1000  }
0x14: {  	s25 =	simm.s32 $0x2800;
	s20 =	simm.s32 $0x4;
	s26 =	sor.u32 $0x8000, s0  }
0x15: {  	[dreg:$0xa] =	wrdreg s21;
	s0 =	sor.u32 $0x10000, s0;
	s4 =	sshrl.u32 s26, $0x3  }
0x16: {  	v0 =	vlaneseq.u32;
	s0 =	sshrl.u32 s0, $0x3;
	s26 =	simm.s32 $0x3000;
	s4 =	sadd.s32 s4, s1  }
0x17: {  	v1 =	vshrl.u32 v0, $0x3;
	s0 =	sadd.s32 s0, s1;
	s1 =	simm.s32 $0x3;
	[dreg:$0x4] =	wrdreg s4  }
0x18: {  	vm0 =	vmmov $0xffff;
	v0 =	vand.u32 $0x7, v0;
	v1 =	vmul.u32 $0x8, v1;
	[dreg:$0x5] =	wrdreg s0;
	s0 =	simm.s32 $0x1;
	s4 =	simm.s32 $0x2  }
.LBB2_1:
0x19: {  	s21 =	rddreg [dreg:$0x6]  }
0x1a: {  	[tilespmem:s3], [sflag:$0x5] =	stream.linear.gather [hbm4b:s21+s3], $0x1000, $0x38;
	[tilespmem:$0x11000] =	vst v63  }
0x1b: {  	s21 =	simm.s32 $0x5  }
0x1c: {  	_ =	swait.ge [sflag:s21], $0x1000  }
0x1d: {  	[sflag:s21] =	ssyncset.done $0x0  }
0x1e: {  	[sflag:s21] =	ssyncadd.s32 $0xFFFFF000  }
0x1f: {  	v2 =	vld.msk [tilespmem:$0x0], $0xff;
	_ =	sdelay $0x4  }
0x20: {  	v3 =	vshll.u32 v2, $0x5  }
0x21: {  	v2 =	vand.u32 $0x7, v2;
	v3 =	vand.u32 $0xFFFFFF00, v3  }
0x22: {  	v2 =	vor.u32 v2, v3  }
0x23: {  	v2 =	vperm.xlane v2, v0;
	_ =	sdelay $0x1  }
0x24: {  	v2 =	vadd.s32 v1, v2;
	_ =	sdelay $0x4  }
0x25: {  	[tilespmem:s24], [sflag:$0x1] =	stream.indirect_vreg.gather [hbm4b:s31+s3], $0x80, v2, vm0, $0xb8;
	[tilespmem:$0x11000] =	vst v63  }
0x26: {  	_ = 	snop  }
0x27: {  	[tilespmem:s23], [sflag:$0x1] =	stream.indirect_vreg.gather [hbm4b:s5+s3], $0x80, v2, vm0, $0xb8;
	[tilespmem:$0x11000] =	vst v63  }
0x28: {  	_ = 	snop  }
0x29: {  	[tilespmem:s22], [sflag:$0x1] =	stream.indirect_vreg.gather [hbm4b:s6+s3], $0x80, v2, vm0, $0xb8;
	[tilespmem:$0x11000] =	vst v63  }
0x2a: {  	_ = 	snop  }
0x2b: {  	[tilespmem:s25], [sflag:$0x1] =	stream.indirect_vreg.gather [hbm4b:s7+s3], $0x80, v2, vm0, $0xb8;
	[tilespmem:$0x11000] =	vst v63  }
0x2c: {  	_ = 	snop  }
0x2d: {  	[tilespmem:s26], [sflag:$0x1] =	stream.indirect_vreg.gather [hbm4b:s8+s3], $0x80, v2, vm0, $0xb8;
	[tilespmem:$0x11000] =	vst v63  }
0x2e: {  	_ = 	snop  }
0x2f: {  	[tilespmem:s29], [sflag:$0x1] =	stream.indirect_vreg.gather [hbm4b:s9+s3], $0x80, v2, vm0, $0xb8;
	[tilespmem:$0x11000] =	vst v63  }
0x30: {  	_ = 	snop  }
0x31: {  	[tilespmem:s30], [sflag:$0x1] =	stream.indirect_vreg.gather [hbm4b:s10+s3], $0x80, v2, vm0, $0xb8;
	[tilespmem:$0x11000] =	vst v63  }
0x32: {  	_ = 	snop  }
0x33: {  	[tilespmem:s2], [sflag:$0x1] =	stream.indirect_vreg.gather [hbm4b:s11+s3], $0x80, v2, vm0, $0xb8;
	[tilespmem:$0x11000] =	vst v63  }
0x34: {  	s21 =	simm.s32 $0x5000  }
0x35: {  	[tilespmem:s21], [sflag:$0x1] =	stream.indirect_vreg.gather [hbm4b:s12+s3], $0x80, v2, vm0, $0xb8;
	[tilespmem:$0x11000] =	vst v63  }
0x36: {  	s22 =	simm.s32 $0x5800  }
0x37: {  	[tilespmem:s22], [sflag:$0x1] =	stream.indirect_vreg.gather [hbm4b:s13+s3], $0x80, v2, vm0, $0xb8;
	[tilespmem:$0x11000] =	vst v63  }
0x38: {  	s25 =	simm.s32 $0x6000  }
0x39: {  	[tilespmem:s25], [sflag:$0x1] =	stream.indirect_vreg.gather [hbm4b:s14+s3], $0x80, v2, vm0, $0xb8;
	[tilespmem:$0x11000] =	vst v63  }
0x3a: {  	s26 =	simm.s32 $0x6800  }
0x3b: {  	[tilespmem:s26], [sflag:$0x1] =	stream.indirect_vreg.gather [hbm4b:s15+s3], $0x80, v2, vm0, $0xb8;
	[tilespmem:$0x11000] =	vst v63  }
0x3c: {  	s21 =	simm.s32 $0x7000  }
0x3d: {  	[tilespmem:s21], [sflag:$0x1] =	stream.indirect_vreg.gather [hbm4b:s16+s3], $0x80, v2, vm0, $0xb8;
	[tilespmem:$0x11000] =	vst v63  }
0x3e: {  	s22 =	simm.s32 $0x7800  }
0x3f: {  	[tilespmem:s22], [sflag:$0x1] =	stream.indirect_vreg.gather [hbm4b:s17+s3], $0x80, v2, vm0, $0xb8;
	[tilespmem:$0x11000] =	vst v63  }
0x40: {  	s25 =	simm.s32 $0x8000  }
0x41: {  	[tilespmem:s25], [sflag:$0x1] =	stream.indirect_vreg.gather [hbm4b:s18+s3], $0x80, v2, vm0, $0xb8;
	[tilespmem:$0x11000] =	vst v63  }
0x42: {  	s26 =	simm.s32 $0x8800  }
0x43: {  	[tilespmem:s26], [sflag:$0x1] =	stream.indirect_vreg.gather [hbm4b:s19+s3], $0x80, v2, vm0, $0xb8;
	[tilespmem:$0x11000] =	vst v63  }
0x44: {  	v2 =	vld.msk [tilespmem:$0x80], $0xff;
	_ =	sdelay $0x4  }
0x45: {  	v3 =	vshll.u32 v2, $0x5  }
0x46: {  	v2 =	vand.u32 $0x7, v2;
	v3 =	vand.u32 $0xFFFFFF00, v3  }
0x47: {  	v2 =	vor.u32 v2, v3  }
0x48: {  	v2 =	vperm.xlane v2, v0;
	_ =	sdelay $0x1  }
0x49: {  	v2 =	vadd.s32 v1, v2;
	_ =	sdelay $0x4  }
0x4a: {  	[tilespmem:s28], [sflag:$0x2] =	stream.indirect_vreg.gather [hbm4b:s31+s3], $0x80, v2, vm0, $0xb8;
	[tilespmem:$0x11000] =	vst v63  }
0x4b: {  	s21 =	simm.s32 $0x9800  }
0x4c: {  	[tilespmem:s21], [sflag:$0x2] =	stream.indirect_vreg.gather [hbm4b:s5+s3], $0x80, v2, vm0, $0xb8;
	[tilespmem:$0x11000] =	vst v63  }
0x4d: {  	s22 =	simm.s32 $0xA000  }
0x4e: {  	[tilespmem:s22], [sflag:$0x2] =	stream.indirect_vreg.gather [hbm4b:s6+s3], $0x80, v2, vm0, $0xb8;
	[tilespmem:$0x11000] =	vst v63  }
0x4f: {  	s25 =	simm.s32 $0xA800  }
0x50: {  	[tilespmem:s25], [sflag:$0x2] =	stream.indirect_vreg.gather [hbm4b:s7+s3], $0x80, v2, vm0, $0xb8;
	[tilespmem:$0x11000] =	vst v63  }
0x51: {  	s26 =	simm.s32 $0xB000  }
0x52: {  	[tilespmem:s26], [sflag:$0x2] =	stream.indirect_vreg.gather [hbm4b:s8+s3], $0x80, v2, vm0, $0xb8;
	[tilespmem:$0x11000] =	vst v63  }
0x53: {  	s21 =	simm.s32 $0xB800  }
0x54: {  	[tilespmem:s21], [sflag:$0x2] =	stream.indirect_vreg.gather [hbm4b:s9+s3], $0x80, v2, vm0, $0xb8;
	[tilespmem:$0x11000] =	vst v63  }
0x55: {  	s22 =	simm.s32 $0xC000  }
0x56: {  	[tilespmem:s22], [sflag:$0x2] =	stream.indirect_vreg.gather [hbm4b:s10+s3], $0x80, v2, vm0, $0xb8;
	[tilespmem:$0x11000] =	vst v63  }
0x57: {  	s25 =	simm.s32 $0xC800  }
0x58: {  	[tilespmem:s25], [sflag:$0x2] =	stream.indirect_vreg.gather [hbm4b:s11+s3], $0x80, v2, vm0, $0xb8;
	[tilespmem:$0x11000] =	vst v63  }
0x59: {  	s26 =	simm.s32 $0xD000  }
0x5a: {  	[tilespmem:s26], [sflag:$0x2] =	stream.indirect_vreg.gather [hbm4b:s12+s3], $0x80, v2, vm0, $0xb8;
	[tilespmem:$0x11000] =	vst v63  }
0x5b: {  	s21 =	simm.s32 $0xD800  }
0x5c: {  	[tilespmem:s21], [sflag:$0x2] =	stream.indirect_vreg.gather [hbm4b:s13+s3], $0x80, v2, vm0, $0xb8;
	[tilespmem:$0x11000] =	vst v63  }
0x5d: {  	s22 =	simm.s32 $0xE000  }
0x5e: {  	[tilespmem:s22], [sflag:$0x2] =	stream.indirect_vreg.gather [hbm4b:s14+s3], $0x80, v2, vm0, $0xb8;
	[tilespmem:$0x11000] =	vst v63  }
0x5f: {  	s25 =	simm.s32 $0xE800  }
0x60: {  	[tilespmem:s25], [sflag:$0x2] =	stream.indirect_vreg.gather [hbm4b:s15+s3], $0x80, v2, vm0, $0xb8;
	[tilespmem:$0x11000] =	vst v63  }
0x61: {  	s26 =	simm.s32 $0xF000  }
0x62: {  	[tilespmem:s26], [sflag:$0x2] =	stream.indirect_vreg.gather [hbm4b:s16+s3], $0x80, v2, vm0, $0xb8;
	[tilespmem:$0x11000] =	vst v63  }
0x63: {  	s21 =	simm.s32 $0xF800  }
0x64: {  	[tilespmem:s21], [sflag:$0x2] =	stream.indirect_vreg.gather [hbm4b:s17+s3], $0x80, v2, vm0, $0xb8;
	[tilespmem:$0x11000] =	vst v63  }
0x65: {  	s22 =	simm.s32 $0x10000  }
0x66: {  	[tilespmem:s22], [sflag:$0x2] =	stream.indirect_vreg.gather [hbm4b:s18+s3], $0x80, v2, vm0, $0xb8;
	[tilespmem:$0x11000] =	vst v63  }
0x67: {  	s25 =	simm.s32 $0x10800  }
0x68: {  	[tilespmem:s25], [sflag:$0x2] =	stream.indirect_vreg.gather [hbm4b:s19+s3], $0x80, v2, vm0, $0xb8;
	[tilespmem:$0x11000] =	vst v63  }
0x69: {  	s29 =	simm.s32 $0x3000;
	s30 =	simm.s32 $0x3800;
	_ =	swait.ge [sflag:s0], $0x8000  }
0x6a: {  	s2 =	simm.s32 $0x1000;
	s21 =	simm.s32 $0x0;
	[sflag:s0] =	ssyncset.done $0x0  }
0x6b: {  	s22 =	simm.s32 $0x180;
	s26 =	rddreg [dreg:$0x8];
	[sflag:s0] =	ssyncadd.s32 $0xFFFF8000  }
0x6c: {  	[hbm4b:s26+s3] =	stream.linear.scatter [tilespmem:s24], [sflag:$0x3], $0x8000, $0x38;
	[tilespmem:$0x11000] =	vst v63  }
0x6d: {  	s25 =	simm.s32 $0x2000;
	s24 =	simm.s32 $0x4000;
	s26 =	simm.s32 $0x2800  }
.LBB2_2:
0x6e: {  	_ =	swait.ge [sflag:s1], $0x8000  }
0x6f: {  	[sflag:s1] =	ssyncset.done $0x0  }
0x70: {  	[sflag:s1] =	ssyncadd.s32 $0xFFFF8000  }
0x71: {  	v2 =	vld.msk [tilespmem:s22+$0xFFFFFF80], $0xff;
	_ =	sdelay $0x4  }
0x72: {  	v3 =	vshll.u32 v2, $0x5  }
0x73: {  	v2 =	vand.u32 $0x7, v2;
	v3 =	vand.u32 $0xFFFFFF00, v3  }
0x74: {  	v2 =	vor.u32 v2, v3  }
0x75: {  	v2 =	vperm.xlane v2, v0;
	_ =	sdelay $0x1  }
0x76: {  	v2 =	vadd.s32 v1, v2;
	_ =	sdelay $0x4  }
0x77: {  	[tilespmem:s2], [sflag:$0x1] =	stream.indirect_vreg.gather [hbm4b:s31+s3], $0x80, v2, vm0, $0xb8;
	[tilespmem:$0x11000] =	vst v63  }
0x78: {  	_ = 	snop  }
0x79: {  	[tilespmem:s23], [sflag:$0x1] =	stream.indirect_vreg.gather [hbm4b:s5+s3], $0x80, v2, vm0, $0xb8;
	[tilespmem:$0x11000] =	vst v63  }
0x7a: {  	_ = 	snop  }
0x7b: {  	[tilespmem:s25], [sflag:$0x1] =	stream.indirect_vreg.gather [hbm4b:s6+s3], $0x80, v2, vm0, $0xb8;
	[tilespmem:$0x11000] =	vst v63  }
0x7c: {  	_ = 	snop  }
0x7d: {  	[tilespmem:s26], [sflag:$0x1] =	stream.indirect_vreg.gather [hbm4b:s7+s3], $0x80, v2, vm0, $0xb8;
	[tilespmem:$0x11000] =	vst v63  }
0x7e: {  	_ = 	snop  }
0x7f: {  	[tilespmem:s29], [sflag:$0x1] =	stream.indirect_vreg.gather [hbm4b:s8+s3], $0x80, v2, vm0, $0xb8;
	[tilespmem:$0x11000] =	vst v63  }
0x80: {  	_ = 	snop  }
0x81: {  	[tilespmem:s30], [sflag:$0x1] =	stream.indirect_vreg.gather [hbm4b:s9+s3], $0x80, v2, vm0, $0xb8;
	[tilespmem:$0x11000] =	vst v63  }
0x82: {  	_ = 	snop  }
0x83: {  	[tilespmem:s24], [sflag:$0x1] =	stream.indirect_vreg.gather [hbm4b:s10+s3], $0x80, v2, vm0, $0xb8;
	[tilespmem:$0x11000] =	vst v63  }
0x84: {  	s23 =	simm.s32 $0x4800  }
0x85: {  	[tilespmem:s23], [sflag:$0x1] =	stream.indirect_vreg.gather [hbm4b:s11+s3], $0x80, v2, vm0, $0xb8;
	[tilespmem:$0x11000] =	vst v63  }
0x86: {  	s23 =	simm.s32 $0x5000  }
0x87: {  	[tilespmem:s23], [sflag:$0x1] =	stream.indirect_vreg.gather [hbm4b:s12+s3], $0x80, v2, vm0, $0xb8;
	[tilespmem:$0x11000] =	vst v63  }
0x88: {  	s23 =	simm.s32 $0x5800  }
0x89: {  	[tilespmem:s23], [sflag:$0x1] =	stream.indirect_vreg.gather [hbm4b:s13+s3], $0x80, v2, vm0, $0xb8;
	[tilespmem:$0x11000] =	vst v63  }
0x8a: {  	s23 =	simm.s32 $0x6000  }
0x8b: {  	[tilespmem:s23], [sflag:$0x1] =	stream.indirect_vreg.gather [hbm4b:s14+s3], $0x80, v2, vm0, $0xb8;
	[tilespmem:$0x11000] =	vst v63  }
0x8c: {  	s23 =	simm.s32 $0x6800  }
0x8d: {  	[tilespmem:s23], [sflag:$0x1] =	stream.indirect_vreg.gather [hbm4b:s15+s3], $0x80, v2, vm0, $0xb8;
	[tilespmem:$0x11000] =	vst v63  }
0x8e: {  	s23 =	simm.s32 $0x7000  }
0x8f: {  	[tilespmem:s23], [sflag:$0x1] =	stream.indirect_vreg.gather [hbm4b:s16+s3], $0x80, v2, vm0, $0xb8;
	[tilespmem:$0x11000] =	vst v63  }
0x90: {  	s23 =	simm.s32 $0x7800  }
0x91: {  	[tilespmem:s23], [sflag:$0x1] =	stream.indirect_vreg.gather [hbm4b:s17+s3], $0x80, v2, vm0, $0xb8;
	[tilespmem:$0x11000] =	vst v63  }
0x92: {  	s23 =	simm.s32 $0x8000  }
0x93: {  	[tilespmem:s23], [sflag:$0x1] =	stream.indirect_vreg.gather [hbm4b:s18+s3], $0x80, v2, vm0, $0xb8;
	[tilespmem:$0x11000] =	vst v63  }
0x94: {  	s23 =	simm.s32 $0x8800  }
0x95: {  	[tilespmem:s23], [sflag:$0x1] =	stream.indirect_vreg.gather [hbm4b:s19+s3], $0x80, v2, vm0, $0xb8;
	[tilespmem:$0x11000] =	vst v63  }
0x96: {  	_ =	swait.ge [sflag:s4], $0x8000  }
0x97: {  	s23 =	rddreg [dreg:$0x4];
	[sflag:s4] =	ssyncset.done $0x0  }
0x98: {  	[sflag:s4] =	ssyncadd.s32 $0xFFFF8000;
	s23 =	sadd.s32 s21, s23  }
0x99: {  	[hbm4b:s23+s3] =	stream.linear.scatter [tilespmem:s28], [sflag:$0x4], $0x8000, $0x38;
	[tilespmem:$0x11000] =	vst v63  }
0x9a: {  	_ =	swait.ge [sflag:s20], $0x8000  }
0x9b: {  	[sflag:s20] =	ssyncset.done $0x0  }
0x9c: {  	[sflag:s20] =	ssyncadd.s32 $0xFFFF8000  }
0x9d: {  	v2 =	vld.msk [tilespmem:s22+$0x0], $0xff;
	_ =	sdelay $0x4  }
0x9e: {  	v3 =	vshll.u32 v2, $0x5  }
0x9f: {  	v2 =	vand.u32 $0x7, v2;
	v3 =	vand.u32 $0xFFFFFF00, v3  }
0xa0: {  	v2 =	vor.u32 v2, v3  }
0xa1: {  	v2 =	vperm.xlane v2, v0;
	_ =	sdelay $0x1  }
0xa2: {  	v2 =	vadd.s32 v1, v2;
	_ =	sdelay $0x4  }
0xa3: {  	[tilespmem:s28], [sflag:$0x2] =	stream.indirect_vreg.gather [hbm4b:s31+s3], $0x80, v2, vm0, $0xb8;
	[tilespmem:$0x11000] =	vst v63  }
0xa4: {  	s23 =	simm.s32 $0x9800  }
0xa5: {  	[tilespmem:s23], [sflag:$0x2] =	stream.indirect_vreg.gather [hbm4b:s5+s3], $0x80, v2, vm0, $0xb8;
	[tilespmem:$0x11000] =	vst v63  }
0xa6: {  	s23 =	simm.s32 $0xA000  }
0xa7: {  	[tilespmem:s23], [sflag:$0x2] =	stream.indirect_vreg.gather [hbm4b:s6+s3], $0x80, v2, vm0, $0xb8;
	[tilespmem:$0x11000] =	vst v63  }
0xa8: {  	s23 =	simm.s32 $0xA800  }
0xa9: {  	[tilespmem:s23], [sflag:$0x2] =	stream.indirect_vreg.gather [hbm4b:s7+s3], $0x80, v2, vm0, $0xb8;
	[tilespmem:$0x11000] =	vst v63  }
0xaa: {  	s23 =	simm.s32 $0xB000  }
0xab: {  	[tilespmem:s23], [sflag:$0x2] =	stream.indirect_vreg.gather [hbm4b:s8+s3], $0x80, v2, vm0, $0xb8;
	[tilespmem:$0x11000] =	vst v63  }
0xac: {  	s23 =	simm.s32 $0xB800  }
0xad: {  	[tilespmem:s23], [sflag:$0x2] =	stream.indirect_vreg.gather [hbm4b:s9+s3], $0x80, v2, vm0, $0xb8;
	[tilespmem:$0x11000] =	vst v63  }
0xae: {  	s23 =	simm.s32 $0xC000  }
0xaf: {  	[tilespmem:s23], [sflag:$0x2] =	stream.indirect_vreg.gather [hbm4b:s10+s3], $0x80, v2, vm0, $0xb8;
	[tilespmem:$0x11000] =	vst v63  }
0xb0: {  	s23 =	simm.s32 $0xC800  }
0xb1: {  	[tilespmem:s23], [sflag:$0x2] =	stream.indirect_vreg.gather [hbm4b:s11+s3], $0x80, v2, vm0, $0xb8;
	[tilespmem:$0x11000] =	vst v63  }
0xb2: {  	s23 =	simm.s32 $0xD000  }
0xb3: {  	[tilespmem:s23], [sflag:$0x2] =	stream.indirect_vreg.gather [hbm4b:s12+s3], $0x80, v2, vm0, $0xb8;
	[tilespmem:$0x11000] =	vst v63  }
0xb4: {  	s23 =	simm.s32 $0xD800  }
0xb5: {  	[tilespmem:s23], [sflag:$0x2] =	stream.indirect_vreg.gather [hbm4b:s13+s3], $0x80, v2, vm0, $0xb8;
	[tilespmem:$0x11000] =	vst v63  }
0xb6: {  	s23 =	simm.s32 $0xE000  }
0xb7: {  	[tilespmem:s23], [sflag:$0x2] =	stream.indirect_vreg.gather [hbm4b:s14+s3], $0x80, v2, vm0, $0xb8;
	[tilespmem:$0x11000] =	vst v63  }
0xb8: {  	s23 =	simm.s32 $0xE800  }
0xb9: {  	[tilespmem:s23], [sflag:$0x2] =	stream.indirect_vreg.gather [hbm4b:s15+s3], $0x80, v2, vm0, $0xb8;
	[tilespmem:$0x11000] =	vst v63  }
0xba: {  	s23 =	simm.s32 $0xF000  }
0xbb: {  	[tilespmem:s23], [sflag:$0x2] =	stream.indirect_vreg.gather [hbm4b:s16+s3], $0x80, v2, vm0, $0xb8;
	[tilespmem:$0x11000] =	vst v63  }
0xbc: {  	s23 =	simm.s32 $0xF800  }
0xbd: {  	[tilespmem:s23], [sflag:$0x2] =	stream.indirect_vreg.gather [hbm4b:s17+s3], $0x80, v2, vm0, $0xb8;
	[tilespmem:$0x11000] =	vst v63  }
0xbe: {  	s23 =	simm.s32 $0x10000  }
0xbf: {  	[tilespmem:s23], [sflag:$0x2] =	stream.indirect_vreg.gather [hbm4b:s18+s3], $0x80, v2, vm0, $0xb8;
	[tilespmem:$0x11000] =	vst v63  }
0xc0: {  	p0 =	sne.s32 s21, $0x1C000;
	s23 =	simm.s32 $0x10800  }
0xc1: {  	[tilespmem:s23], [sflag:$0x2] =	stream.indirect_vreg.gather [hbm4b:s19+s3], $0x80, v2, vm0, $0xb8;
	[tilespmem:$0x11000] =	vst v63  }
.Ltmp0:
0xc2: {  	_ =	swait.ge [sflag:s0], $0x8000;
	(pc) =	sbr.rel @p0 .LBB2_2-.Ltmp0, $4  }
0xc3: {  	s23 =	rddreg [dreg:$0x5];
	[sflag:s0] =	ssyncset.done $0x0  }
0xc4: {  	[sflag:s0] =	ssyncadd.s32 $0xFFFF8000;
	s23 =	sadd.s32 s21, s23  }
0xc5: {  	[hbm4b:s23+s3] =	stream.linear.scatter [tilespmem:s2], [sflag:$0x3], $0x8000, $0x38;
	[tilespmem:$0x11000] =	vst v63  }
0xc6: {  	s22 =	sadd.s32 $0x100, s22;
	s21 =	sadd.s32 $0x2000, s21;
	s23 =	simm.s32 $0x1800  }
0xc7: {  	_ =	swait.ge [sflag:s4], $0x8000  }
0xc8: {  	[sflag:s4] =	ssyncset.done $0x0  }
0xc9: {  	s21 =	rddreg [dreg:$0x9];
	[sflag:s4] =	ssyncadd.s32 $0xFFFF8000  }
0xca: {  	[hbm4b:s21+s3] =	stream.linear.scatter [tilespmem:s28], [sflag:$0x4], $0x8000, $0x38;
	[tilespmem:$0x11000] =	vst v63  }
0xcb: {  	_ =	swait.ge [sflag:s1], $0x8000  }
0xcc: {  	[sflag:s1] =	ssyncset.done $0x0  }
0xcd: {  	[sflag:s1] =	ssyncadd.s32 $0xFFFF8000  }
0xce: {  	_ =	swait.ge [sflag:s20], $0x8000  }
0xcf: {  	s2 =	rddreg [dreg:$0xa]  }
0xd0: {  	s26 =	rddreg [dreg:$0x7];
	s2 =	sadd.s32 $0x1, s2  }
0xd1: {  	p0 =	sne.s32 s2, s26  }
.Ltmp1:
0xd2: {  	_ = 	snop;
	(pc) =	sbr.rel @p0 .LBB2_1-.Ltmp1, $4  }
0xd3: {  	s22 =	simm.s32 $0x2000  }
0xd4: {  	s25 =	simm.s32 $0x2800;
	s29 =	simm.s32 $0x3800;
	[sflag:s20] =	ssyncset.done $0x0  }
0xd5: {  	s30 =	simm.s32 $0x4000;
	s24 =	simm.s32 $0x1000;
	[sflag:s20] =	ssyncadd.s32 $0xFFFF8000  }
0xd6: {  	[dreg:$0xa] =	wrdreg s2;
	s26 =	simm.s32 $0x3000;
	s2 =	simm.s32 $0x4800  }
0xd7: {  	_ =	sfence.sel $0x180000  }
0xd8: {  	[bflag:$0x0] =	sbarrier.arrive $0xFFFF  }
0xd9: {  	_ =	strace $0x90000047  }
0xda: {  	s0 =	stileid.u32;
	[bflag:$0x2] =	sbarrier.arrive $0xFFFF  }
0xdb: {  	p0 =	sne.s32 s0, $0x0;
	s0 =	rddreg [dreg:$0x3]  }
0xdc: {  	s0 =	sadd.s32 @!p0 $0x100000, s0  }
0xdd: {  	[sflag:s0] =	ssyncadd.tile.s32 @!p0 $0x1;
	_ =	shalt  }
.Lfunc_end2:
_tile_overlayer_lowered:
.L_overlay_start_2:
0xde: {  	(tag) =	ssettag $0x2  }
0xdf: {  	s0 =	rddreg [dreg:$0x0];
	s2 =	stileid.u32  }
0xe0: {  	s1 =	rddreg [dreg:$0x1];
	p0 =	sne.s32 s2, $0x0  }
0xe1: {  	s3 =	rddreg [dreg:$0x2];
	[bflag:$0x3] =	sbarrier.arrive $0xFFFF;
	s2 =	simm.s32 @!p0 $0x1C05  }
0xe2: {  	[timem:s3], [sflag:s2] =	dma.local @!p0 [hbm:s0], s1  }
0xe3: {  	s0 =	simm.s32 @!p0 $0x5  }
0xe4: {  	_ =	swait.ge @!p0 [sflag:s0], s1  }
0xe5: {  	s1 =	ssub.s32 @!p0 $0x0, s1;
	[sflag:s0] =	ssyncset.done @!p0 $0x0  }
0xe6: {  	[sflag:s0] =	ssyncadd.s32 @!p0 s1  }
0xe7: {  	[bflag:$0x3] =	sbarrier.arrive $0xFFFF  }
0xe8: {  	_ =	shalt  }

</sc_bundles>
